<compile_context>
chip_gen: v7x
topology: tpu7x:2x2x1
jax: 0.10.2.dev20260603
libtpu: 0.0.44.dev20260713+nightly
codegen_flags: <defaults>
</compile_context>

<pallas_src>
import jax
import jax.numpy as jnp
from jax import lax
from jax.experimental import pallas as pl
from jax.experimental.pallas import tpu as pltpu, tpu_sc as plsc

N0 = 4096
K = 20
VOCAB = 1000
CHUNK = 25
BLOCKS_PER_K = VOCAB // CHUNK
N_BLOCKS = K * BLOCKS_PER_K
BLOCK_WORDS = CHUNK * N0


def _sc_onehot(xt_hbm, out_hbm, xcol_v, img_v, sem):
    info = plsc.get_sparse_core_info()
    nc = info.num_cores
    wid = lax.axis_index("s") * nc + lax.axis_index("c")
    nsub = nc * info.num_subcores
    blocks_per_sub = N_BLOCKS // nsub

    iota16 = lax.iota(jnp.int32, 16)
    zeros16 = jnp.zeros((16,), jnp.float32)
    ones16 = jnp.ones((16,), jnp.float32)

    def init_zero(c, _):
        img_v[pl.ds(c * 16, 16)] = zeros16
        return ()

    lax.fori_loop(0, BLOCK_WORDS // 16, init_zero, ())

    def run_block(t, _):
        u = wid * blocks_per_sub + t
        k = u // BLOCKS_PER_K
        v0 = (u % BLOCKS_PER_K) * CHUNK
        base = u * BLOCK_WORDS

        pltpu.sync_copy(xt_hbm.at[k], xcol_v)

        def scat(val16):
            def body(c, _):
                v16 = xcol_v[pl.ds(c * 16, 16)]
                in_blk = (v16 >= v0) & (v16 < v0 + CHUNK)
                v_cl = jnp.minimum(jnp.maximum(v16, v0), v0 + (CHUNK - 1))
                local = (v_cl - v0) * N0 + (c * 16) + iota16
                plsc.store_scatter(img_v, [local], jnp.where(in_blk, val16, zeros16))
                return ()

            lax.fori_loop(0, N0 // 16, body, ())

        scat(ones16)
        pltpu.make_async_copy(
            img_v, out_hbm.at[pl.ds(base, BLOCK_WORDS)], sem
        ).start()
        pltpu.make_async_copy(
            img_v, out_hbm.at[pl.ds(base, BLOCK_WORDS)], sem
        ).wait()
        scat(zeros16)
        return ()

    lax.fori_loop(0, blocks_per_sub, run_block, ())


def kernel(x):
    xt = x.T
    mesh = plsc.VectorSubcoreMesh(core_axis_name="c", subcore_axis_name="s")
    out_flat = pl.kernel(
        _sc_onehot,
        mesh=mesh,
        out_type=jax.ShapeDtypeStruct((K * VOCAB * N0,), jnp.float32),
        scratch_types=[
            pltpu.VMEM((N0,), jnp.int32),
            pltpu.VMEM((BLOCK_WORDS,), jnp.float32),
            pltpu.SemaphoreType.DMA,
        ],
        compiler_params=pltpu.CompilerParams(needs_layout_passes=False),
    )(xt)
    return out_flat.reshape(K, VOCAB, N0).transpose(2, 0, 1)

# --- scband reference (transcript-rebuilt; emitter-appended) ---
"""Pipeline reference for scband-one-hot-embedding-15092515078398 (READ-ONLY COPY).

The authoritative reference and input builder live on the scoring server;
editing this copy changes nothing except your own understanding.
"""

import jax, jax.numpy as jnp
import numpy as np

VOCAB_SIZE = 1000

def setup_inputs(seed: int = 0) -> dict:
    key = jax.random.key(seed)
    x = jax.random.randint(key, (4096, 20), 0, VOCAB_SIZE, dtype=jnp.int64 if jax.config.jax_enable_x64 else jnp.int32)
    return {"x": x}

def reference(x) -> jnp.ndarray:
    # Faithful translation of: H = zeros(list(x.shape)+[V]); H.scatter(-1, x[...,None], 1)
    S = list(x.shape) + [VOCAB_SIZE]
    H = jnp.zeros(S, dtype=jnp.float32)
    H = H.at[..., :].set(jnp.where(jnp.arange(VOCAB_SIZE) == x[..., None], 1.0, H))
    # Equivalent, simpler scatter-overwrite form using one-hot comparison:
    H = (x[..., None] == jnp.arange(VOCAB_SIZE)).astype(jnp.float32)
    return H

if __name__ == "__main__":
    import jax
    _d = setup_inputs()
    print(jax.jit(kernel)(*tuple(_d.values())))

</pallas_src>

<mosaic_0001>
#map = affine_map<(d0, d1) -> (0, 0)>
#map1 = affine_map<(d0, d1) -> (0)>
module attributes {stable_mosaic.version = 14 : i64} {
  func.func @_sc_onehot(%arg0: i32, %arg1: i32, %arg2: memref<20x4096xi32, #tpu.memory_space<hbm>>, %arg3: memref<81920000xf32, #tpu.memory_space<hbm>>, %arg4: memref<4096xi32, #tpu.memory_space<vmem>>, %arg5: memref<102400xf32, #tpu.memory_space<vmem>>, %arg6: memref<!tpu.dma_semaphore, #tpu.memory_space<semaphore_mem>>) attributes {dimension_semantics = [#tpu.dimension_semantics<core_parallel>, #tpu.dimension_semantics<subcore_parallel>], iteration_bounds = array<i64: 2, 16>, scalar_prefetch = 0 : i64, scratch_operands = 3 : i64, tpu.core_type = #tpu.core_type<sc_vector_subcore>, window_params = [{transform_indices = #map}, {transform_indices = #map1}]} {
    %mul3A = arith.constant 2 : i32
    %mul3A_0 = arith.muli %arg1, %mul3A : i32
    %add3A = arith.addi %mul3A_0, %arg0 : i32
    %iota3A = tpu.iota {dimensions = array<i32: 0>} : vector<16xi32>
    %broadcast_in_dim3A = arith.constant 0.000000e+00 : f32
    %broadcast_in_dim3A_1 = vector.broadcast %broadcast_in_dim3A : f32 to vector<16xf32>
    %broadcast_in_dim3A_2 = arith.constant 1.000000e+00 : f32
    %broadcast_in_dim3A_3 = vector.broadcast %broadcast_in_dim3A_2 : f32 to vector<16xf32>
    %scan3A = arith.constant 0 : i32
    %scan3A_4 = arith.constant 6400 : i32
    %scan3A_5 = arith.addi %scan3A, %scan3A_4 : i32
    %scan3A_6 = arith.constant 1 : i32
    scf.for %scan3A_13 = %scan3A to %scan3A_5 step %scan3A_6  : i32 {
      %mul3A_14 = arith.constant 16 : i32
      %mul3A_15 = arith.muli %scan3A_13, %mul3A_14 : i32
      %swap3A = arith.index_cast %mul3A_15 : i32 to index
      %swap3A_16 = tpu.vector_load %arg5[%swap3A] {strides = array<i32>} : memref<102400xf32, #tpu.memory_space<vmem>>, vector<16xf32>,
      tpu.vector_store %arg5[%swap3A], %broadcast_in_dim3A_1 {strides = array<i32>} : memref<102400xf32, #tpu.memory_space<vmem>>, vector<16xf32>,
    }
    %scan3A_7 = arith.constant 6400 : i32
    %scan3A_8 = arith.constant 0 : i32
    %scan3A_9 = arith.constant 25 : i32
    %scan3A_10 = arith.addi %scan3A_8, %scan3A_9 : i32
    %scan3A_11 = arith.constant 1 : i32
    scf.for %scan3A_13 = %scan3A_8 to %scan3A_10 step %scan3A_11  : i32 {
      %mul3A_14 = arith.constant 25 : i32
      %mul3A_15 = arith.muli %add3A, %mul3A_14 : i32
      %add3A_16 = arith.addi %mul3A_15, %scan3A_13 : i32
      %jit3A = arith.constant 40 : i32
      %div3A = arith.divsi %add3A_16, %jit3A : i32
      %sign3A = arith.constant 0 : i32
      %sign3A_17 = arith.cmpi sgt, %add3A_16, %sign3A : i32
      %sign3A_18 = arith.extui %sign3A_17 : i1 to i32
      %sign3A_19 = arith.constant 0 : i32
      %sign3A_20 = arith.cmpi slt, %add3A_16, %sign3A_19 : i32
      %sign3A_21 = arith.extui %sign3A_20 : i1 to i32
      %sign3A_22 = arith.subi %sign3A_18, %sign3A_21 : i32
      %sign3A_23 = arith.constant 0 : i32
      %sign3A_24 = arith.cmpi sgt, %jit3A, %sign3A_23 : i32
      %sign3A_25 = arith.extui %sign3A_24 : i1 to i32
      %sign3A_26 = arith.constant 0 : i32
      %sign3A_27 = arith.cmpi slt, %jit3A, %sign3A_26 : i32
      %sign3A_28 = arith.extui %sign3A_27 : i1 to i32
      %sign3A_29 = arith.subi %sign3A_25, %sign3A_28 : i32
      %ne3A = arith.cmpi ne, %sign3A_22, %sign3A_29 : i32
      %rem3A = arith.remsi %add3A_16, %jit3A : i32
      %ne3A_30 = arith.constant 0 : i32
      %ne3A_31 = arith.cmpi ne, %rem3A, %ne3A_30 : i32
      %and3A = arith.andi %ne3A, %ne3A_31 : i1
      %sub3A = arith.constant 1 : i32
      %sub3A_32 = arith.subi %div3A, %sub3A : i32
      %select_n3A = arith.select %and3A, %sub3A_32, %div3A : i32
      %jit3A_33 = arith.constant 40 : i32
      %eq3A = arith.constant 0 : i32
      %eq3A_34 = arith.cmpi eq, %jit3A_33, %eq3A : i32
      %jit3A_35 = arith.constant 1 : i32
      %select_n3A_36 = arith.select %eq3A_34, %jit3A_35, %jit3A_33 : i32
      %rem3A_37 = arith.remsi %add3A_16, %select_n3A_36 : i32
      %ne3A_38 = arith.constant 0 : i32
      %ne3A_39 = arith.cmpi ne, %rem3A_37, %ne3A_38 : i32
      %lt3A = arith.constant 0 : i32
      %lt3A_40 = arith.cmpi slt, %rem3A_37, %lt3A : i32
      %lt3A_41 = arith.constant 0 : i32
      %lt3A_42 = arith.cmpi slt, %select_n3A_36, %lt3A_41 : i32
      %ne3A_43 = arith.xori %lt3A_40, %lt3A_42 : i1
      %and3A_44 = arith.andi %ne3A_43, %ne3A_39 : i1
      %add3A_45 = arith.addi %rem3A_37, %select_n3A_36 : i32
      %select_n3A_46 = arith.select %and3A_44, %add3A_45, %rem3A_37 : i32
      %mul3A_47 = arith.constant 25 : i32
      %mul3A_48 = arith.muli %select_n3A_46, %mul3A_47 : i32
      %mul3A_49 = arith.constant 102400 : i32
      %mul3A_50 = arith.muli %add3A_16, %mul3A_49 : i32
      "tpu.region"() ({
        %run_scoped3A = tpu.sem_alloc : memref<!tpu.dma_semaphore, #tpu.memory_space<semaphore_mem>>
        %dma_start3A_63 = arith.constant 0 : i32
        %dma_start3A_64 = tpu.memref_slice %arg2[%select_n3A, %dma_start3A_63] : memref<20x4096xi32, #tpu.memory_space<hbm>> -> memref<1x4096xi32, #tpu.memory_space<hbm>>
        %dma_start3A_65 = tpu.memref_squeeze %dma_start3A_64 : memref<1x4096xi32, #tpu.memory_space<hbm>> -> memref<4096xi32, #tpu.memory_space<hbm>>
        %dma_start3A_66 = arith.constant 0 : i32
        %dma_start3A_67 = tpu.memref_slice %arg2[%select_n3A, %dma_start3A_66] : memref<20x4096xi32, #tpu.memory_space<hbm>> -> memref<1x4096xi32, #tpu.memory_space<hbm>>
        %dma_start3A_68 = tpu.memref_squeeze %dma_start3A_67 : memref<1x4096xi32, #tpu.memory_space<hbm>> -> memref<4096xi32, #tpu.memory_space<hbm>>
        tpu.enqueue_dma source(%dma_start3A_68 : memref<4096xi32, #tpu.memory_space<hbm>>) target(%arg4 : memref<4096xi32, #tpu.memory_space<vmem>>) target_semaphore(%run_scoped3A : memref<!tpu.dma_semaphore, #tpu.memory_space<semaphore_mem>>)
        %dma_wait3A_69 = arith.constant 0 : i32
        %dma_wait3A_70 = tpu.memref_slice %arg2[%select_n3A, %dma_wait3A_69] : memref<20x4096xi32, #tpu.memory_space<hbm>> -> memref<1x4096xi32, #tpu.memory_space<hbm>>
        %dma_wait3A_71 = tpu.memref_squeeze %dma_wait3A_70 : memref<1x4096xi32, #tpu.memory_space<hbm>> -> memref<4096xi32, #tpu.memory_space<hbm>>
        %dma_wait3A_72 = arith.constant 0 : i32
        %dma_wait3A_73 = tpu.memref_slice %arg2[%select_n3A, %dma_wait3A_72] : memref<20x4096xi32, #tpu.memory_space<hbm>> -> memref<1x4096xi32, #tpu.memory_space<hbm>>
        %dma_wait3A_74 = tpu.memref_squeeze %dma_wait3A_73 : memref<1x4096xi32, #tpu.memory_space<hbm>> -> memref<4096xi32, #tpu.memory_space<hbm>>
        tpu.wait_dma2 semaphore(%run_scoped3A : memref<!tpu.dma_semaphore, #tpu.memory_space<semaphore_mem>>) src(%dma_wait3A_74 : memref<4096xi32, #tpu.memory_space<hbm>>) dst(%arg4 : memref<4096xi32, #tpu.memory_space<vmem>>)
        tpu.yield
      }) : () -> ()
      %scan3A_51 = arith.constant 0 : i32
      %scan3A_52 = arith.constant 256 : i32
      %scan3A_53 = arith.addi %scan3A_51, %scan3A_52 : i32
      %scan3A_54 = arith.constant 1 : i32
      scf.for %scan3A_63 = %scan3A_51 to %scan3A_53 step %scan3A_54  : i32 {
        %mul3A_64 = arith.constant 16 : i32
        %mul3A_65 = arith.muli %scan3A_63, %mul3A_64 : i32
        %get3A = arith.index_cast %mul3A_65 : i32 to index
        %get3A_66 = tpu.vector_load %arg4[%get3A] {strides = array<i32>} : memref<4096xi32, #tpu.memory_space<vmem>>, vector<16xi32>,
        %ge3A = vector.broadcast %mul3A_48 : i32 to vector<16xi32>
        %ge3A_67 = arith.cmpi sge, %get3A_66, %ge3A : vector<16xi32>
        %add3A_68 = arith.constant 25 : i32
        %add3A_69 = arith.addi %mul3A_48, %add3A_68 : i32
        %lt3A_70 = vector.broadcast %add3A_69 : i32 to vector<16xi32>
        %lt3A_71 = arith.cmpi slt, %get3A_66, %lt3A_70 : vector<16xi32>
        %and3A_72 = arith.andi %ge3A_67, %lt3A_71 : vector<16xi1>
        %max3A = vector.broadcast %mul3A_48 : i32 to vector<16xi32>
        %max3A_73 = arith.maxsi %get3A_66, %max3A : vector<16xi32>
        %add3A_74 = arith.constant 24 : i32
        %add3A_75 = arith.addi %mul3A_48, %add3A_74 : i32
        %min3A = vector.broadcast %add3A_75 : i32 to vector<16xi32>
        %min3A_76 = arith.minsi %max3A_73, %min3A : vector<16xi32>
        %sub3A_77 = vector.broadcast %mul3A_48 : i32 to vector<16xi32>
        %sub3A_78 = arith.subi %min3A_76, %sub3A_77 : vector<16xi32>
        %mul3A_79 = arith.constant 4096 : i32
        %mul3A_80 = vector.broadcast %mul3A_79 : i32 to vector<16xi32>
        %mul3A_81 = arith.muli %sub3A_78, %mul3A_80 : vector<16xi32>
        %mul3A_82 = arith.constant 16 : i32
        %mul3A_83 = arith.muli %scan3A_63, %mul3A_82 : i32
        %add3A_84 = vector.broadcast %mul3A_83 : i32 to vector<16xi32>
        %add3A_85 = arith.addi %mul3A_81, %add3A_84 : vector<16xi32>
        %add3A_86 = arith.addi %add3A_85, %iota3A : vector<16xi32>
        %select_n3A_87 = arith.select %and3A_72, %broadcast_in_dim3A_3, %broadcast_in_dim3A_1 : vector<16xi1>, vector<16xf32>
        tpu.vector_store_idx %arg5[%add3A_86], %select_n3A_87 : memref<102400xf32, #tpu.memory_space<vmem>>[vector<16xi32>], vector<16xf32>,
      }
      %scan3A_55 = arith.constant 256 : i32
      %dma_start3A = tpu.memref_slice %arg3[%mul3A_50] : memref<81920000xf32, #tpu.memory_space<hbm>> -> memref<102400xf32, #tpu.memory_space<hbm>>
      %dma_start3A_56 = tpu.memref_slice %arg3[%mul3A_50] : memref<81920000xf32, #tpu.memory_space<hbm>> -> memref<102400xf32, #tpu.memory_space<hbm>>
      tpu.enqueue_dma source(%arg5 : memref<102400xf32, #tpu.memory_space<vmem>>) target(%dma_start3A_56 : memref<102400xf32, #tpu.memory_space<hbm>>) target_semaphore(%arg6 : memref<!tpu.dma_semaphore, #tpu.memory_space<semaphore_mem>>)
      %dma_wait3A = tpu.memref_slice %arg3[%mul3A_50] : memref<81920000xf32, #tpu.memory_space<hbm>> -> memref<102400xf32, #tpu.memory_space<hbm>>
      %dma_wait3A_57 = tpu.memref_slice %arg3[%mul3A_50] : memref<81920000xf32, #tpu.memory_space<hbm>> -> memref<102400xf32, #tpu.memory_space<hbm>>
      tpu.wait_dma2 semaphore(%arg6 : memref<!tpu.dma_semaphore, #tpu.memory_space<semaphore_mem>>) src(%arg5 : memref<102400xf32, #tpu.memory_space<vmem>>) dst(%dma_wait3A_57 : memref<102400xf32, #tpu.memory_space<hbm>>)
      %scan3A_58 = arith.constant 0 : i32
      %scan3A_59 = arith.constant 256 : i32
      %scan3A_60 = arith.addi %scan3A_58, %scan3A_59 : i32
      %scan3A_61 = arith.constant 1 : i32
      scf.for %scan3A_63 = %scan3A_58 to %scan3A_60 step %scan3A_61  : i32 {
        %mul3A_64 = arith.constant 16 : i32
        %mul3A_65 = arith.muli %scan3A_63, %mul3A_64 : i32
        %get3A = arith.index_cast %mul3A_65 : i32 to index
        %get3A_66 = tpu.vector_load %arg4[%get3A] {strides = array<i32>} : memref<4096xi32, #tpu.memory_space<vmem>>, vector<16xi32>,
        %ge3A = vector.broadcast %mul3A_48 : i32 to vector<16xi32>
        %ge3A_67 = arith.cmpi sge, %get3A_66, %ge3A : vector<16xi32>
        %add3A_68 = arith.constant 25 : i32
        %add3A_69 = arith.addi %mul3A_48, %add3A_68 : i32
        %lt3A_70 = vector.broadcast %add3A_69 : i32 to vector<16xi32>
        %lt3A_71 = arith.cmpi slt, %get3A_66, %lt3A_70 : vector<16xi32>
        %and3A_72 = arith.andi %ge3A_67, %lt3A_71 : vector<16xi1>
        %max3A = vector.broadcast %mul3A_48 : i32 to vector<16xi32>
        %max3A_73 = arith.maxsi %get3A_66, %max3A : vector<16xi32>
        %add3A_74 = arith.constant 24 : i32
        %add3A_75 = arith.addi %mul3A_48, %add3A_74 : i32
        %min3A = vector.broadcast %add3A_75 : i32 to vector<16xi32>
        %min3A_76 = arith.minsi %max3A_73, %min3A : vector<16xi32>
        %sub3A_77 = vector.broadcast %mul3A_48 : i32 to vector<16xi32>
        %sub3A_78 = arith.subi %min3A_76, %sub3A_77 : vector<16xi32>
        %mul3A_79 = arith.constant 4096 : i32
        %mul3A_80 = vector.broadcast %mul3A_79 : i32 to vector<16xi32>
        %mul3A_81 = arith.muli %sub3A_78, %mul3A_80 : vector<16xi32>
        %mul3A_82 = arith.constant 16 : i32
        %mul3A_83 = arith.muli %scan3A_63, %mul3A_82 : i32
        %add3A_84 = vector.broadcast %mul3A_83 : i32 to vector<16xi32>
        %add3A_85 = arith.addi %mul3A_81, %add3A_84 : vector<16xi32>
        %add3A_86 = arith.addi %add3A_85, %iota3A : vector<16xi32>
        %select_n3A_87 = arith.select %and3A_72, %broadcast_in_dim3A_1, %broadcast_in_dim3A_1 : vector<16xi1>, vector<16xf32>
        tpu.vector_store_idx %arg5[%add3A_86], %select_n3A_87 : memref<102400xf32, #tpu.memory_space<vmem>>[vector<16xi32>], vector<16xf32>,
      }
      %scan3A_62 = arith.constant 256 : i32
    }
    %scan3A_12 = arith.constant 25 : i32
    return
  }
}

</mosaic_0001>

<sc_bundles>
// kernel: kernel.3.cloned.1.call-start
scs
__scs_entry_jumppad:
0x0: {  	(pc) =	sbr.rel $0x88, $3  }
0x1: {  	(tag) =	ssettag $0x0;
	lr =	simm.s32 $0x1  }
0x2: {  	[smem:$0x3FA0] =	sst lr;
	_ =	strace $0xD0000000  }
0x3: {  	_ = 	snop  }
0x4: {  	_ = 	snop  }
0x5: {  	_ = 	snop  }
0x6: {  	_ = 	snop  }
0x7: {  	_ = 	snop  }
__scs_overlays_trampoline_lowered:
0x8: {  	[smem:$0x3FAF] =	sst s0  }
0x9: {  	[smem:$0x3FB0] =	sst s1  }
0xa: {  	[smem:$0x3FB1] =	sst s2  }
0xb: {  	[smem:$0x3FB2] =	sst s3  }
0xc: {  	[smem:$0x3FB3] =	sst s4  }
0xd: {  	[smem:$0x3FB4] =	sst s5  }
0xe: {  	[smem:$0x3FB5] =	sst s6  }
0xf: {  	[smem:$0x3FB6] =	sst s7  }
0x10: {  	[smem:$0x3FB7] =	sst s8  }
0x11: {  	[smem:$0x3FB8] =	sst s9;
	s0 =	simm.s32 @!p0 $0x0  }
0x12: {  	s1 =	sld [smem:$0x3F9E];
	s0 =	simm.s32 @p0 $0x1  }
0x13: {  	[smem:$0x3FB9] =	sst s0;
	s0 =	simm.s32 @!p1 $0x0  }
0x14: {  	s2 =	sld [smem:$0x3F9D];
	s0 =	simm.s32 @p1 $0x1  }
0x15: {  	[smem:$0x3FBA] =	sst s0;
	s0 =	simm.s32 @!p2 $0x0  }
0x16: {  	s3 =	sld [smem:$0x3FDB];
	s0 =	simm.s32 @p2 $0x1  }
0x17: {  	s4 =	simm.s32 $0x1BF5;
	[smem:$0x3FBC] =	sst s0  }
0x18: {  	s0 =	sld [smem:$0x3F9F];
	_ =	swait.ge [sflag:s4], $0x0  }
0x19: {  	s7 =	sld [smem:$0x3FA0]  }
0x1a: {  	s8 =	sadd.s32 $0xFFFFE003, lr  }
0x1b: {  	s9 =	sadd.s32 $0xFFFFFEF7, lr;
	s5 =	simm.s32 $0xFFFFFFFF;
	p2 =	slt.u32 s8, $0xFFFFF086  }
0x1c: {  	p1 =	slt.u32 s9, $0xF7A;
	s5 =	simm.s32 @!p2 $0x0  }
0x1d: {  	s5 =	simm.s32 @p1 $0x1;
	p0 =	seq.s32 s7, s2  }
0x1e: {  	s7 =	smul.u32 @!p0 $0xF7A, s2;
	p2 =	seq.s32 @!p0 s5, $0x0  }
0x1f: {  	s9 =	smul.u32 $0xF7A, s1;
	s8 =	simm.s32 @!p0 $0x1BF5;
	p2 =	por !p2, p0  }
0x20: {  	[sflag:s8] =	ssyncset.s32 @!p0 $0xFFFFF086;
	s6 =	sadd.s32 @!p0 s3, s7;
	s7 =	simm.s32 @!p0 $0x108  }
0x21: {  	s3 =	sadd.s32 s3, s9;
	s6 =	sadd.s32 @!p0 $0x88, s6;
	s7 =	simm.s32 @p2 $0x1082  }
0x22: {  	[simem:s7], [sflag:s8] =	dma.local @!p0 [hbm:s6], $0xF7A  }
0x23: {  	s9 =	sor.u32 $0xD0000000, s2;
	s6 =	simm.s32 $0x108;
	_ =	swait.ge @!p0 [sflag:s8], $0x0  }
0x24: {  	s3 =	sadd.s32 $0x88, s3;
	s6 =	simm.s32 @!p1 $0x1082;
	[sflag:s4] =	ssyncset.s32 $0xFFFFF086  }
0x25: {  	[simem:s6], [sflag:s4] =	dma.local [hbm:s3], $0xF7A  }
0x26: {  	[smem:$0x3FA0] =	sst s1;
	(tag) =	ssettag s2;
	_ =	strace s9  }
0x27: {  	s1 =	sld [smem:$0x3FB0]  }
0x28: {  	s2 =	sld [smem:$0x3FB1]  }
0x29: {  	s4 =	sld [smem:$0x3FB3]  }
0x2a: {  	p0 =	seq.s32 s5, $0x0;
	s5 =	sld [smem:$0x3FB4]  }
0x2b: {  	s6 =	sld [smem:$0x3FB5]  }
0x2c: {  	s7 =	sld [smem:$0x3FB6]  }
0x2d: {  	s3 =	simm.s32 $0x108;
	s8 =	sld [smem:$0x3FB7]  }
0x2e: {  	s3 =	simm.s32 @!p0 $0x1082;
	s9 =	sld [smem:$0x3FB8]  }
0x2f: {  	lr =	sadd.s32 s0, s3;
	s0 =	sld [smem:$0x3FAF]  }
0x30: {  	s3 =	sld [smem:$0x3FB2]  }
0x31: {  	[smem:$0x3FBB] =	sst s10  }
0x32: {  	s10 =	sld [smem:$0x3FB9];
	_ =	sdelay $0x3  }
0x33: {  	p0 =	seq.s32 s10, $0x1;
	s10 =	sld [smem:$0x3FBB];
	_ =	sdelay $0x3  }
0x34: {  	[smem:$0x3FBB] =	sst s10  }
0x35: {  	s10 =	sld [smem:$0x3FBA];
	_ =	sdelay $0x3  }
0x36: {  	p1 =	seq.s32 s10, $0x1;
	s10 =	sld [smem:$0x3FBB];
	_ =	sdelay $0x3  }
0x37: {  	[smem:$0x3FBB] =	sst s10  }
0x38: {  	s10 =	sld [smem:$0x3FBC]  }
0x39: {  	_ = 	snop;
	(pc) =	sbr.ind lr, $3  }
0x3a: {  	_ = 	snop  }
0x3b: {  	_ = 	snop  }
0x3c: {  	p2 =	seq.s32 s10, $0x1;
	s10 =	sld [smem:$0x3FBB]  }
0x3d: {  	_ =	shalt  }
0x3e: {  	_ =	shalt  }
0x3f: {  	_ =	shalt  }
0x40: {  	_ =	shalt  }
0x41: {  	_ =	shalt  }
0x42: {  	_ =	shalt  }
0x43: {  	_ =	shalt  }
0x44: {  	_ =	shalt  }
0x45: {  	_ =	shalt  }
0x46: {  	_ =	shalt  }
0x47: {  	_ =	shalt  }
0x48: {  	_ =	shalt  }
0x49: {  	_ =	shalt  }
0x4a: {  	_ =	shalt  }
0x4b: {  	_ =	shalt  }
0x4c: {  	_ =	shalt  }
0x4d: {  	_ =	shalt  }
0x4e: {  	_ =	shalt  }
0x4f: {  	_ =	shalt  }
0x50: {  	_ =	shalt  }
0x51: {  	_ =	shalt  }
0x52: {  	_ =	shalt  }
0x53: {  	_ =	shalt  }
0x54: {  	_ =	shalt  }
0x55: {  	_ =	shalt  }
0x56: {  	_ =	shalt  }
0x57: {  	_ =	shalt  }
0x58: {  	_ =	shalt  }
0x59: {  	_ =	shalt  }
0x5a: {  	_ =	shalt  }
0x5b: {  	_ =	shalt  }
0x5c: {  	_ =	shalt  }
0x5d: {  	_ =	shalt  }
0x5e: {  	_ =	shalt  }
0x5f: {  	_ =	shalt  }
0x60: {  	_ =	shalt  }
0x61: {  	_ =	shalt  }
0x62: {  	_ =	shalt  }
0x63: {  	_ =	shalt  }
0x64: {  	_ =	shalt  }
0x65: {  	_ =	shalt  }
0x66: {  	_ =	shalt  }
0x67: {  	_ =	shalt  }
0x68: {  	_ =	shalt  }
0x69: {  	_ =	shalt  }
0x6a: {  	_ =	shalt  }
0x6b: {  	_ =	shalt  }
0x6c: {  	_ =	shalt  }
0x6d: {  	_ =	shalt  }
0x6e: {  	_ =	shalt  }
0x6f: {  	_ =	shalt  }
0x70: {  	_ =	shalt  }
0x71: {  	_ =	shalt  }
0x72: {  	_ =	shalt  }
0x73: {  	_ =	shalt  }
0x74: {  	_ =	shalt  }
0x75: {  	_ =	shalt  }
0x76: {  	_ =	shalt  }
0x77: {  	_ =	shalt  }
0x78: {  	_ =	shalt  }
0x79: {  	_ =	shalt  }
0x7a: {  	_ =	shalt  }
0x7b: {  	_ =	shalt  }
0x7c: {  	_ =	shalt  }
0x7d: {  	_ =	shalt  }
0x7e: {  	_ =	shalt  }
0x7f: {  	_ =	shalt  }
0x80: {  	_ =	shalt  }
0x81: {  	_ =	shalt  }
0x82: {  	_ =	shalt  }
0x83: {  	_ =	shalt  }
0x84: {  	_ =	shalt  }
0x85: {  	_ =	shalt  }
0x86: {  	_ =	shalt  }
0x87: {  	_ =	shalt  }
.Lfunc_end0:
.L_simem_size_0:
called_computation_lowered:
.L_overlay_start_0:
0x88: {  	s2 =	sld [smem:$0x3FD9]  }
0x89: {  	s3 =	sld [smem:$0x3FFE];
	_ =	sdelay $0x1  }
0x8a: {  	s1 =	srdreg.scid  }
0x8b: {  	s0 =	sand.u32 $0x1, s1  }
0x8c: {  	s17 =	sshll.u32 s0, $0xA;
	s2 =	sadd.s32 s3, s2  }
0x8d: {  	s2 =	sadd.s32 s2, s17  }
0x8e: {  	[smem:$0x3FC7] =	sst s2  }
0x8f: {  	_ = 	snop  }
0x90: {  	s2 =	sld [smem:$0x3FC9];
	(tm) =	ssettm $0x1  }
0x91: {  	s18 =	sld [smem:$0x3FFB];
	_ =	sdelay $0x3  }
0x92: {  	_ =	strace s18  }
0x93: {  	s3 =	sld [smem:$0x3FFC];
	_ =	sdelay $0x3  }
0x94: {  	_ =	strace s3  }
0x95: {  	s3 =	sld [smem:$0x3FFD];
	_ =	sdelay $0x3  }
0x96: {  	_ =	strace s3  }
0x97: {  	_ =	strace $0x8FFFFFFF  }
0x98: {  	s19 =	sld [smem:$0x3FDB];
	_ =	sdelay $0x1  }
0x99: {  	s4 =	simm.s32 $_scs_section_size  }
0x9a: {  	s5 =	simm.s32 $_size__tile_overlayer_lowered;
	s6 =	simm.s32 $_tile_overlayer_lowered  }
0x9b: {  	s22 =	simm.s32 $0x1BFF;
	s21 =	sshll.u32 s6, $0x1;
	s3 =	sadd.s32 s4, s19  }
0x9c: {  	s7 =	simm.s32 $0x0;
	s20 =	sshll.u32 s5, $0x1;
	s5 =	sadd.s32 s21, s3  }
0x9d: {  	[timem:s7], [sflag:s22] =	dma.local [hbm:s5], s20  }
0x9e: {  	_ =	swait.ge [sflag:s22], s20  }
0x9f: {  	s4 =	ssub.s32 $0x0, s20;
	[sflag:s22] =	ssyncset.done $0x0  }
0xa0: {  	[sflag:s22] =	ssyncadd.s32 s4;
	_ =	sdelay $0x1  }
0xa1: {  	s23 =	simm.s32 $0x1B8B  }
0xa2: {  	_ =	swait.ge [sflag:s23], $0x1  }
0xa3: {  	[sflag:s23] =	ssyncset.done $0x0  }
0xa4: {  	s25 =	simm.s32 $0x1B8E;
	s24 =	sld [smem:$0x3FFE];
	[sflag:s23] =	ssyncadd.s32 $0xFFFFFFFF  }
0xa5: {  	s26 =	simm.s32 $execute0_lowered;
	[smem:$0x3FD2] =	sst s25  }
0xa6: {  	s5 =	sshll.u32 s26, $0x1;
	_ =	strace $0x80000046;
	[dreg:$0x1] =	wrdreg $0xFFFFFFFF  }
0xa7: {  	s28 =	simm.s32 $_size_execute0_lowered;
	s3 =	sadd.s32 s3, s5;
	[dreg:$0x0] =	wrdreg $0x0  }
0xa8: {  	s5 =	sshll.u32 s28, $0x1;
	[dreg:$0x2] =	wrdreg s3  }
0xa9: {  	[dreg:$0x3] =	wrdreg s5  }
0xaa: {  	[dreg:$0x4] =	wrdreg $0xC0  }
0xab: {  	_ =	task [dreg:s7], $0x5FFFF  }
0xac: {  	[dreg:$0x1] =	wrdreg $0xFFFFFFFF  }
0xad: {  	[dreg:$0x0] =	wrdreg $0x60  }
0xae: {  	[dreg:$0x2] =	wrdreg s2  }
0xaf: {  	[dreg:$0x3] =	wrdreg s24  }
0xb0: {  	[dreg:$0x4] =	wrdreg $0x9  }
0xb1: {  	_ =	task.clear_ibuf [dreg:s7], $0x5FFFF;
	_ =	strace $0x90000046  }
0xb2: {  	s29 =	simm.s32 $0x9;
	_ =	strace $0x80000048  }
0xb3: {  	_ =	swait.ge [sflag:s29], $0x1  }
0xb4: {  	[sflag:s29] =	ssyncadd.s32 $0xFFFFFFFF  }
0xb5: {  	_ =	strace $0x90000048  }
0xb6: {  	_ =	sfence  }
0xb7: {  	s30 =	sld [smem:$0x0];
	_ =	sdelay $0x2  }
0xb8: {  	s31 =	sshll.u32 s1, $0xD;
	s1 =	sshrl.u32 s1, $0x2  }
0xb9: {  	s3 =	sand.u32 $0x4000, s31;
	s1 =	sadd.s32 s1, s30  }
0xba: {  	s0 =	sor.u32 s3, s0;
	s1 =	sshll.u32 s1, $0x11  }
0xbb: {  	s0 =	sor.u32 s1, s0  }
0xbc: {  	s0 =	sadd.s32 $0x8F2B, s0  }
0xbd: {  	[sflag:s0] =	ssyncadd.remote.s32 $0x1  }
0xbe: {  	_ =	sfence.sel $0xFFFF  }
0xbf: {  	[dreg:$0x0] =	wrdreg $0xFFFFFFFF;
	(pc) =	sbr.abs _section_cstart, $3  }
0xc0: {  	[dreg:$0x1] =	wrdreg $0xFFFFFFFF  }
0xc1: {  	_ =	task.clear_ibuf [dreg:s7], $0x2FFFF;
	_ =	strace $0x9FFFFFFF  }
0xc2: {  	(tm) =	ssettm $0x7FFFFFFF  }
0xc3: {  	_ =	shalt  }
tec
execute0_lowered:
.L_overlay_start_1:
0x0: {  	(tag) =	ssettag $0x1  }
0x1: {  	s1 =	rddreg [dreg:$0x0]  }
0x2: {  	s4 =	rddreg [dreg:$0x1]  }
0x3: {  	s0 =	rddreg [dreg:$0x2];
	s5 =	srdreg.scid  }
0x4: {  	s3 =	simm.s32 $0x0;
	s2 =	stileid.u32;
	s9 =	simm.s32 $0x2  }
0x5: {  	s10 =	simm.s32 $0x1000;
	s11 =	simm.s32 $0x1;
	s5 =	sand.u32 $0x1, s5  }
0x6: {  	[smem:$0x7FF] =	sst s3;
	s7 =	sshll.u32 s2, $0x1;
	s6 =	ssub.s32 $0x2, s5  }
0x7: {  	s4 =	sadd.s32 $0x400, s4;
	_ =	strace $0x80000047;
	s8 =	sshrl.u32 s6, $0x1  }
0x8: {  	s5 =	sor.u32 s5, s7;
	s7 =	simm.s32 $0x80;
	s6 =	ssub.s32 s6, s8  }
0x9: {  	v0 =	vimm.f32 $0.0e+00;
	v1 =	vlaneseq.u32;
	s5 =	smul.u32 $0x19, s5;
	s8 =	simm.s32 $0x400;
	s6 =	smax.u32 s6, $0x1  }
.LBB2_1:
0xa: {  	s12 =	simm.s32 $0x40;
	s13 =	simm.s32 $0x0  }
.LBB2_2:
0xb: {  	p0 =	sne.s32 s12, $0x63FC0;
	[tilespmem:s13+$0x1000] =	vst v0;
	s13 =	smov.u32 s12;
	s12 =	sadd.s32 $0x40, s12  }
.Ltmp0:
0xc: {  	(pc) =	sbr.rel @p0 .LBB2_2-.Ltmp0, $2  }
0xd: {  	_ =	sdelay $0x2  }
0xe: {  	s13 =	sshra.s32 s13, $0x2  }
0xf: {  	[tilespmem:s13+$0x1000] =	vst v0;
	s12 =	simm.s32 $0x0;
	s13 =	simm.s32 $0x0  }
.LBB2_4:
0x10: {  	s14 =	sadd.s32 s5, s13  }
0x11: {  	s15 =	smulhi.u32 $0xCCCCCCCD, s14;
	_ =	sdelay $0x1  }
0x12: {  	s16 =	sshrl.u32 s15, $0x5;
	s17 =	sshrl.u32 s15, $0x1  }
0x13: {  	s15 =	sshll.u32 s15, $0x4;
	s16 =	smul.u32 $0x28, s16;
	s17 =	sand.u32 $0x70, s17  }
0x14: {  	s15 =	sand.u32 $0xFFFF000, s15;
	s17 =	sadd.s32 s1, s17  }
0x15: {  	s16 =	ssub.s32 s14, s16;
	s15 =	sadd.s32 s15, s17  }
0x16: {  	[tilespmem:s12], [sflag:$0x2] =	stream.strided.gather [hbm4b:s15+s7], $0x1000, s8, s7, $0x38;
	[tilespmem:$0x1A000] =	vst v63  }
0x17: {  	s30 =	smul.u32 $0x19, s16;
	_ =	swait.ge [sflag:s9], $0x1000  }
0x18: {  	[sflag:s9] =	ssyncset.done $0x0  }
0x19: {  	s16 =	sadd.s32 $0x19, s30;
	s31 =	sadd.s32 $0x18, s30;
	[sflag:s9] =	ssyncadd.s32 $0xFFFFF000  }
0x1a: {  	s17 =	simm.s32 $0x0;
	s15 =	simm.s32 $0x0;
	v2 =	vmov s30;
	v4 =	vmov s16;
	v3 =	vmov s31;
	s16 =	simm.s32 $0x10;
	v5 =	vld [tilespmem:s12+$0x0]  }
.LBB2_5:
0x1b: {  	p0 =	sne.s32 s16, $0xFF0;
	_ =	sdelay $0x3  }
0x1c: {  	vm0 =	vge.s32 v5, v2  }
0x1d: {  	v6 =	vsel vm0, v5, v2  }
0x1e: {  	vm1 =	vlt.s32 v6, v3  }
0x1f: {  	v6 =	vsel vm1, v6, v3  }
0x20: {  	v7 =	vmov s15;
	v6 =	vsub.s32 v6, v2  }
0x21: {  	v8 =	vor.u32 s15, v1;
	s15 =	smov.u32 s16;
	v7 =	vand.u32 $0xF80, v7;
	v6 =	vshll.u32 v6, $0xC  }
0x22: {  	v6 =	vor.u32 v7, v6;
	v7 =	vand.u32 $0x7F, v8  }
0x23: {  	v6 =	vor.u32 v7, v6;
	_ =	sdelay $0x1  }
.Ltmp1:
0x24: {  	vm1 =	vlt.s32 v5, v4;
	(pc) =	sbr.rel @p0 .LBB2_5-.Ltmp1, $4  }
0x25: {  	vm0 =	vmand vm0, vm1  }
0x26: {  	v5 =	vsel vm0, $0x3F800000, v0  }
0x27: {  	s17 =	sadd.s32 $0x10, s17;
	[tilespmem:v6+s10+$0x0] =	vst.idx.msk $0xffff, v5  }
0x28: {  	s16 =	sadd.s32 $0x10, s16;
	v5 =	vld [tilespmem:s17+$0x0]  }
0x29: {  	_ =	sdelay $0x3  }
0x2a: {  	vm0 =	vge.s32 v5, v2  }
0x2b: {  	v6 =	vsel vm0, v5, v2  }
0x2c: {  	vm1 =	vlt.s32 v6, v3  }
0x2d: {  	v6 =	vsel vm1, v6, v3  }
0x2e: {  	v7 =	vmov s15;
	v6 =	vsub.s32 v6, v2  }
0x2f: {  	v8 =	vor.u32 s15, v1;
	v7 =	vand.u32 $0xF80, v7;
	v6 =	vshll.u32 v6, $0xC  }
0x30: {  	v6 =	vor.u32 v7, v6;
	v7 =	vand.u32 $0x7F, v8  }
0x31: {  	v6 =	vor.u32 v7, v6;
	_ =	sdelay $0x1  }
0x32: {  	vm15 =	vlt.s32 v5, v4  }
0x33: {  	s14 =	smul.u32 $0x3200, s14;
	vm0 =	vmand vm0, vm15  }
0x34: {  	v4 =	vsel vm0, $0x3F800000, v0  }
0x35: {  	s31 =	sadd.s32 s4, s14;
	s14 =	simm.s32 $0x0;
	[tilespmem:v6+s10+$0x0] =	vst.idx.msk $0xffff, v4  }
0x36: {  	[hbm4b:s31+s14] =	stream.linear.scatter [tilespmem:s10], [sflag:$0x1], $0x19000, $0x38;
	[tilespmem:$0x1A000] =	vst v63  }
0x37: {  	_ =	swait.ge [sflag:s11], $0x19000  }
0x38: {  	[sflag:s11] =	ssyncset.done $0x0  }
0x39: {  	[sflag:s11] =	ssyncadd.s32 $0xFFFE7000  }
0x3a: {  	s15 =	simm.s32 $0x10;
	s16 =	simm.s32 $0x0;
	v4 =	vld [tilespmem:s14+$0x0]  }
.LBB2_7:
0x3b: {  	p0 =	sne.s32 s15, $0xFF0;
	_ =	sdelay $0x3  }
0x3c: {  	vm0 =	vgt.s32 v4, v2  }
0x3d: {  	v4 =	vsel vm0, v4, v2  }
0x3e: {  	vm0 =	vlt.s32 v4, v3  }
0x3f: {  	v4 =	vsel vm0, v4, v3  }
0x40: {  	v5 =	vmov s14;
	v4 =	vsub.s32 v4, v2  }
0x41: {  	v6 =	vor.u32 s14, v1;
	s14 =	smov.u32 s15;
	v5 =	vand.u32 $0xF80, v5;
	v4 =	vshll.u32 v4, $0xC  }
0x42: {  	v4 =	vor.u32 v5, v4;
	v5 =	vand.u32 $0x7F, v6  }
0x43: {  	v4 =	vor.u32 v5, v4;
	_ =	sdelay $0x1  }
.Ltmp2:
0x44: {  	(pc) =	sbr.rel @p0 .LBB2_7-.Ltmp2, $3  }
0x45: {  	_ =	sdelay $0x1  }
0x46: {  	s16 =	sadd.s32 $0x10, s16;
	[tilespmem:v4+s10+$0x0] =	vst.idx.msk $0xffff, v0  }
0x47: {  	s15 =	sadd.s32 $0x10, s15;
	v4 =	vld [tilespmem:s16+$0x0]  }
0x48: {  	_ =	sdelay $0x3  }
0x49: {  	vm0 =	vgt.s32 v4, v2  }
0x4a: {  	v4 =	vsel vm0, v4, v2  }
0x4b: {  	vm0 =	vlt.s32 v4, v3  }
0x4c: {  	v3 =	vsel vm0, v4, v3  }
0x4d: {  	v2 =	vsub.s32 v3, v2;
	v3 =	vmov s14  }
0x4e: {  	v63 =	vor.u32 s14, v1;
	v2 =	vshll.u32 v2, $0xC;
	v3 =	vand.u32 $0xF80, v3  }
0x4f: {  	s13 =	sadd.s32 $0x1, s13;
	v2 =	vor.u32 v3, v2;
	v3 =	vand.u32 $0x7F, v63  }
0x50: {  	p0 =	sne.s32 s13, $0x19;
	v2 =	vor.u32 v3, v2  }
.Ltmp3:
0x51: {  	_ = 	snop;
	(pc) =	sbr.rel @p0 .LBB2_4-.Ltmp3, $2  }
0x52: {  	_ =	sdelay $0x2  }
0x53: {  	[tilespmem:v2+s10+$0x0] =	vst.idx.msk $0xffff, v0  }
0x54: {  	s3 =	sadd.s32 $0x1, s3  }
0x55: {  	p0 =	sne.s32 s3, s6  }
.Ltmp4:
0x56: {  	_ = 	snop;
	(pc) =	sbr.rel @p0 .LBB2_1-.Ltmp4, $1  }
0x57: {  	_ =	sdelay $0x3  }
0x58: {  	_ =	sfence.sel $0x180000  }
0x59: {  	[bflag:$0x0] =	sbarrier.arrive $0xFFFF  }
0x5a: {  	p0 =	sne.s32 s2, $0x0;
	_ =	strace $0x90000047  }
0x5b: {  	s0 =	sadd.s32 @!p0 $0x100000, s0;
	[bflag:$0x2] =	sbarrier.arrive $0xFFFF  }
0x5c: {  	[sflag:s0] =	ssyncadd.tile.s32 @!p0 $0x1;
	_ =	shalt  }
.Lfunc_end2:
_tile_overlayer_lowered:
.L_overlay_start_2:
0x5d: {  	(tag) =	ssettag $0x2  }
0x5e: {  	s0 =	rddreg [dreg:$0x0];
	s2 =	stileid.u32  }
0x5f: {  	s1 =	rddreg [dreg:$0x1];
	p0 =	sne.s32 s2, $0x0  }
0x60: {  	s3 =	rddreg [dreg:$0x2];
	[bflag:$0x3] =	sbarrier.arrive $0xFFFF;
	s2 =	simm.s32 @!p0 $0x1C02  }
0x61: {  	[timem:s3], [sflag:s2] =	dma.local @!p0 [hbm:s0], s1  }
0x62: {  	s0 =	simm.s32 @!p0 $0x2  }
0x63: {  	_ =	swait.ge @!p0 [sflag:s0], s1  }
0x64: {  	s1 =	ssub.s32 @!p0 $0x0, s1;
	[sflag:s0] =	ssyncset.done @!p0 $0x0  }
0x65: {  	[sflag:s0] =	ssyncadd.s32 @!p0 s1  }
0x66: {  	[bflag:$0x3] =	sbarrier.arrive $0xFFFF  }
0x67: {  	_ =	shalt  }

</sc_bundles>
